<compile_context>
chip_gen: v7x
topology: tpu7x:2x2x1
jax: 0.10.2.dev20260603
libtpu: 0.0.44.dev20260713+nightly
codegen_flags: <defaults>
</compile_context>

<pallas_src>
import functools

import jax
import jax.numpy as jnp
from jax import lax
from jax.experimental import pallas as pl
from jax.experimental.pallas import tpu as pltpu
from jax.experimental.pallas import tpu_sc as plsc

MARGIN_ = 1.0
EPS_ = 1e-6
CB_ = 1024
KAUG_ = 128
NC_, NS_ = 2, 16
NW_ = NC_ * NS_


def _sc_gather_body(table_hbm, idx_hbm, out_hbm, idx_v, rows_v, sem, *, bpw):
    wid = lax.axis_index("s") * NC_ + lax.axis_index("c")
    base = wid * bpw
    pltpu.sync_copy(idx_hbm.at[pl.ds(base, bpw)], idx_v)
    pltpu.async_copy(table_hbm.at[idx_v], rows_v, sem).wait()
    pltpu.sync_copy(rows_v, out_hbm.at[pl.ds(base, bpw)])


def _gather_positives(target, labels):
    B = labels.shape[0]
    D = target.shape[1]
    bpw = B // NW_
    mesh = plsc.VectorSubcoreMesh(core_axis_name="c", subcore_axis_name="s")
    return pl.kernel(
        functools.partial(_sc_gather_body, bpw=bpw),
        mesh=mesh,
        out_type=jax.ShapeDtypeStruct((B, D), jnp.float32),
        scratch_types=[
            pltpu.VMEM((bpw,), jnp.int32),
            pltpu.VMEM((bpw, D), jnp.float32),
            pltpu.SemaphoreType.DMA,
        ],
        compiler_params=pltpu.CompilerParams(use_tc_tiling_on_sc=False),
    )(target, labels)


def _dist_body(a_aug_ref, labels_ref, target_hbm, minacc_ref, t_buf, sem,
               *, n_valid, nblocks):
    i = pl.program_id(0)
    B = a_aug_ref.shape[0]
    D = t_buf.shape[2]
    slot = lax.rem(i, 2)

    def _start(idx):
        return jnp.where(idx == nblocks - 1, n_valid - CB_, idx * CB_)

    @pl.when(i == 0)
    def _prime():
        pltpu.make_async_copy(
            target_hbm.at[pl.ds(0, CB_)], t_buf.at[0], sem.at[0]).start()

    @pl.when(i + 1 < nblocks)
    def _prefetch():
        pltpu.make_async_copy(
            target_hbm.at[pl.ds(_start(i + 1), CB_)],
            t_buf.at[1 - slot], sem.at[1 - slot]).start()

    pltpu.make_async_copy(
        target_hbm.at[pl.ds(_start(i), CB_)], t_buf.at[slot],
        sem.at[slot]).wait()

    t = t_buf[slot] - EPS_
    t_sq = jnp.sum(t * t, axis=1, keepdims=True)
    t_aug = jnp.concatenate(
        [t * -2.0, t_sq, jnp.zeros((CB_, KAUG_ - D - 1), jnp.float32)],
        axis=1)

    s = lax.dot_general(a_aug_ref[...], t_aug, (((1,), (1,)), ((), ())),
                        preferred_element_type=jnp.float32)

    @pl.when(i == 0)
    def _init():
        minacc_ref[...] = jnp.full_like(minacc_ref, jnp.inf)

    lbl_s = labels_ref[...] - _start(i)
    lane = lax.broadcasted_iota(jnp.int32, (B, 128), 1)
    m = minacc_ref[...]
    for k in range(CB_ // 128):
        sk = s[:, k * 128:(k + 1) * 128]
        own = (lane + k * 128) == lbl_s
        m = jnp.minimum(m, jnp.where(own, jnp.inf, sk))
    minacc_ref[...] = m


def _final_body(minacc_ref, inputs_ref, pos_ref, out_ref):
    a = inputs_ref[...]
    a_sq = jnp.sum(a * a, axis=1, keepdims=True)
    d_an = jnp.sqrt(jnp.clip(
        a_sq + jnp.min(minacc_ref[...], axis=1, keepdims=True), 1e-12))
    dp = a - pos_ref[...] + EPS_
    d_ap = jnp.sqrt(jnp.clip(jnp.sum(dp * dp, axis=1, keepdims=True), 1e-12))
    per = jnp.maximum(d_ap - d_an + MARGIN_, 0.0)
    out_ref[0, 0] = jnp.sum(per) / a.shape[0]


def kernel(inputs, labels, target):
    B, D = inputs.shape
    C = target.shape[0]
    nblocks = (C + CB_ - 1) // CB_

    pos = _gather_positives(target, labels)

    a_aug = jnp.concatenate(
        [inputs,
         jnp.ones((B, 1), jnp.float32),
         jnp.zeros((B, KAUG_ - D - 1), jnp.float32)], axis=1)
    labels2 = labels.reshape(B, 1)

    minacc = pl.pallas_call(
        functools.partial(_dist_body, n_valid=C, nblocks=nblocks),
        grid=(nblocks,),
        in_specs=[
            pl.BlockSpec((B, KAUG_), lambda i: (0, 0)),
            pl.BlockSpec((B, 1), lambda i: (0, 0)),
            pl.BlockSpec(memory_space=pl.ANY),
        ],
        out_specs=pl.BlockSpec((B, 128), lambda i: (0, 0)),
        out_shape=jax.ShapeDtypeStruct((B, 128), jnp.float32),
        scratch_shapes=[
            pltpu.VMEM((2, CB_, D), jnp.float32),
            pltpu.SemaphoreType.DMA((2,)),
        ],
        compiler_params=pltpu.CompilerParams(
            dimension_semantics=("arbitrary",)),
    )(a_aug, labels2, target)

    out = pl.pallas_call(
        _final_body,
        out_specs=pl.BlockSpec(memory_space=pltpu.SMEM),
        out_shape=jax.ShapeDtypeStruct((1, 1), jnp.float32),
    )(minacc, inputs, pos)
    return out[0, 0]

# --- scband reference (transcript-rebuilt; emitter-appended) ---
"""Pipeline reference for scband-custom-triplet-loss-23570780520583 (READ-ONLY COPY).

The authoritative reference and input builder live on the scoring server;
editing this copy changes nothing except your own understanding.
"""

import jax, jax.numpy as jnp
import numpy as np

MARGIN = 1.0
EPS = 1e-6


def setup_inputs(seed: int = 0) -> dict:
    key = jax.random.key(seed)
    k1, k2, k3 = jax.random.split(key, 3)
    inputs = jax.random.normal(k1, (1024, 64), dtype=jnp.float32)
    labels = jax.random.randint(k2, (1024,), 0, 100000, dtype=jnp.int32)
    target = jax.random.normal(k3, (100000, 64), dtype=jnp.float32)
    return {"inputs": inputs, "labels": labels, "target": target}


def reference(inputs, labels, target):
    # Faithful vectorization of the per-sample loop:
    #   anchor    = inputs[i]
    #   positive  = target[labels[i]]
    #   negative  = argmin_{t != labels[i]} ||anchor - target[t] + EPS||_2
    #   loss_i    = max(d(a,p) - d(a,n) + margin, 0)   (TripletMarginLoss, p=2)
    # F.pairwise_distance computes ||x1 - x2 + eps||_p with eps=1e-6, so we
    # absorb eps by shifting the target: a - t + eps == a - (t - eps).
    C = target.shape[0]
    t_shift = target - EPS  # [C, d]
    # squared-distance matrix via the norm expansion trick (avoids [B, C, d])
    a_sq = jnp.sum(inputs * inputs, axis=1)          # [B]
    t_sq = jnp.sum(t_shift * t_shift, axis=1)        # [C]
    d2 = a_sq[:, None] + t_sq[None, :] - 2.0 * (inputs @ t_shift.T)  # [B, C]
    dist = jnp.sqrt(jnp.clip(d2, 1e-12))             # [B, C]
    # mask out the anchor's own class (tx == anchor_label is skipped)
    same_class = jnp.arange(C, dtype=labels.dtype)[None, :] == labels[:, None]
    dist_masked = jnp.where(same_class, jnp.inf, dist)
    d_an = jnp.min(dist_masked, axis=1)              # [B] min-dist negative
    # positive distance (gather positive prototype by label)
    pos = jnp.take(target, labels, axis=0)           # [B, d]
    diff_ap = inputs - pos + EPS
    d_ap = jnp.sqrt(jnp.clip(jnp.sum(diff_ap * diff_ap, axis=1), 1e-12))
    per_sample = jnp.maximum(d_ap - d_an + MARGIN, 0.0)
    # every anchor yields a valid triplet (C > 1), so mean == sum/valid_count
    return jnp.mean(per_sample)

if __name__ == "__main__":
    import jax
    _d = setup_inputs()
    print(jax.jit(kernel)(*tuple(_d.values())))

</pallas_src>

<mosaic_0001>
#map = affine_map<(d0, d1) -> (0, 0)>
#map1 = affine_map<(d0, d1) -> (0)>
module attributes {stable_mosaic.version = 14 : i64} {
  func.func @_sc_gather_body(%arg0: i32, %arg1: i32, %arg2: memref<100000x64xf32, #tpu.memory_space<hbm>>, %arg3: memref<1024xi32, #tpu.memory_space<hbm>>, %arg4: memref<1024x64xf32, #tpu.memory_space<hbm>>, %arg5: memref<32xi32, #tpu.memory_space<vmem>>, %arg6: memref<32x64xf32, #tpu.memory_space<vmem>>, %arg7: memref<!tpu.dma_semaphore, #tpu.memory_space<semaphore_mem>>) attributes {dimension_semantics = [#tpu.dimension_semantics<core_parallel>, #tpu.dimension_semantics<subcore_parallel>], iteration_bounds = array<i64: 2, 16>, scalar_prefetch = 0 : i64, scratch_operands = 3 : i64, tpu.core_type = #tpu.core_type<sc_vector_subcore>, window_params = [{transform_indices = #map}, {transform_indices = #map1}, {transform_indices = #map}]} {
    %mul3A = arith.constant 2 : i32
    %mul3A_0 = arith.muli %arg1, %mul3A : i32
    %add3A = arith.addi %mul3A_0, %arg0 : i32
    %mul3A_1 = arith.constant 32 : i32
    %mul3A_2 = arith.muli %add3A, %mul3A_1 : i32
    "tpu.region"() ({
      %run_scoped3A = tpu.sem_alloc : memref<!tpu.dma_semaphore, #tpu.memory_space<semaphore_mem>>
      %dma_start3A_7 = tpu.memref_slice %arg3[%mul3A_2] : memref<1024xi32, #tpu.memory_space<hbm>> -> memref<32xi32, #tpu.memory_space<hbm>>
      %dma_start3A_8 = tpu.memref_slice %arg3[%mul3A_2] : memref<1024xi32, #tpu.memory_space<hbm>> -> memref<32xi32, #tpu.memory_space<hbm>>
      tpu.enqueue_dma source(%dma_start3A_8 : memref<32xi32, #tpu.memory_space<hbm>>) target(%arg5 : memref<32xi32, #tpu.memory_space<vmem>>) target_semaphore(%run_scoped3A : memref<!tpu.dma_semaphore, #tpu.memory_space<semaphore_mem>>)
      %dma_wait3A_9 = tpu.memref_slice %arg3[%mul3A_2] : memref<1024xi32, #tpu.memory_space<hbm>> -> memref<32xi32, #tpu.memory_space<hbm>>
      %dma_wait3A_10 = tpu.memref_slice %arg3[%mul3A_2] : memref<1024xi32, #tpu.memory_space<hbm>> -> memref<32xi32, #tpu.memory_space<hbm>>
      tpu.wait_dma2 semaphore(%run_scoped3A : memref<!tpu.dma_semaphore, #tpu.memory_space<semaphore_mem>>) src(%dma_wait3A_10 : memref<32xi32, #tpu.memory_space<hbm>>) dst(%arg5 : memref<32xi32, #tpu.memory_space<vmem>>)
      tpu.yield
    }) : () -> ()
    %dma_start3A = arith.constant 0 : i32
    %dma_start3A_3 = arith.constant 0 : i32
    %dma_start3A_4 = tpu.memref_slice %arg2[%dma_start3A, %dma_start3A_3] : memref<100000x64xf32, #tpu.memory_space<hbm>> -> memref<100000x64xf32, #tpu.memory_space<hbm>>
    tpu.enqueue_indirect_dma source(%dma_start3A_4 : memref<100000x64xf32, #tpu.memory_space<hbm>>) target(%arg6 : memref<32x64xf32, #tpu.memory_space<vmem>>) offsets(%arg5 : memref<32xi32, #tpu.memory_space<vmem>>) semaphore(%arg7 : memref<!tpu.dma_semaphore, #tpu.memory_space<semaphore_mem>>)
    %dma_wait3A = arith.constant 0 : i32
    %dma_wait3A_5 = arith.constant 0 : i32
    %dma_wait3A_6 = tpu.memref_slice %arg2[%dma_wait3A, %dma_wait3A_5] : memref<100000x64xf32, #tpu.memory_space<hbm>> -> memref<100000x64xf32, #tpu.memory_space<hbm>>
    tpu.wait_indirect_dma semaphore(%arg7 : memref<!tpu.dma_semaphore, #tpu.memory_space<semaphore_mem>>) src(%dma_wait3A_6 : memref<100000x64xf32, #tpu.memory_space<hbm>>) dst(%arg6 : memref<32x64xf32, #tpu.memory_space<vmem>>)
    "tpu.region"() ({
      %run_scoped3A = tpu.sem_alloc : memref<!tpu.dma_semaphore, #tpu.memory_space<semaphore_mem>>
      %dma_start3A_7 = arith.constant 0 : i32
      %dma_start3A_8 = tpu.memref_slice %arg4[%mul3A_2, %dma_start3A_7] : memref<1024x64xf32, #tpu.memory_space<hbm>> -> memref<32x64xf32, #tpu.memory_space<hbm>>
      %dma_start3A_9 = arith.constant 0 : i32
      %dma_start3A_10 = tpu.memref_slice %arg4[%mul3A_2, %dma_start3A_9] : memref<1024x64xf32, #tpu.memory_space<hbm>> -> memref<32x64xf32, #tpu.memory_space<hbm>>
      tpu.enqueue_dma source(%arg6 : memref<32x64xf32, #tpu.memory_space<vmem>>) target(%dma_start3A_10 : memref<32x64xf32, #tpu.memory_space<hbm>>) target_semaphore(%run_scoped3A : memref<!tpu.dma_semaphore, #tpu.memory_space<semaphore_mem>>)
      %dma_wait3A_11 = arith.constant 0 : i32
      %dma_wait3A_12 = tpu.memref_slice %arg4[%mul3A_2, %dma_wait3A_11] : memref<1024x64xf32, #tpu.memory_space<hbm>> -> memref<32x64xf32, #tpu.memory_space<hbm>>
      %dma_wait3A_13 = arith.constant 0 : i32
      %dma_wait3A_14 = tpu.memref_slice %arg4[%mul3A_2, %dma_wait3A_13] : memref<1024x64xf32, #tpu.memory_space<hbm>> -> memref<32x64xf32, #tpu.memory_space<hbm>>
      tpu.wait_dma2 semaphore(%run_scoped3A : memref<!tpu.dma_semaphore, #tpu.memory_space<semaphore_mem>>) src(%arg6 : memref<32x64xf32, #tpu.memory_space<vmem>>) dst(%dma_wait3A_14 : memref<32x64xf32, #tpu.memory_space<hbm>>)
      tpu.yield
    }) : () -> ()
    return
  }
}

module attributes {stable_mosaic.version = 14 : i64} {
  func.func @_dist_body(%arg0: i32, %arg1: memref<1024x128xf32, #tpu.memory_space<vmem>>, %arg2: memref<1024x1xi32, #tpu.memory_space<vmem>>, %arg3: memref<100000x64xf32, #tpu.memory_space<any>>, %arg4: memref<1024x128xf32, #tpu.memory_space<vmem>>, %arg5: memref<2x1024x64xf32, #tpu.memory_space<vmem>>, %arg6: memref<2x!tpu.dma_semaphore, #tpu.memory_space<semaphore_mem>>) attributes {dimension_semantics = [#tpu.dimension_semantics<arbitrary>], iteration_bounds = array<i64: 98>, scalar_prefetch = 0 : i64, scratch_operands = 2 : i64, tpu.core_type = #tpu.core_type<tc>, window_params = [{pipeline_mode = #tpu.pipeline_mode<synchronous>, transform_indices = @transform_0, window_bounds = array<i64: 1024, 128>}, {pipeline_mode = #tpu.pipeline_mode<synchronous>, transform_indices = @transform_1, window_bounds = array<i64: 1024, 1>}, {}, {pipeline_mode = #tpu.pipeline_mode<synchronous>, transform_indices = @transform_3, window_bounds = array<i64: 1024, 128>}]} {
    %rem3A = arith.constant 2 : i32
    %rem3A_0 = arith.remsi %arg0, %rem3A : i32
    %eq3A = arith.constant 0 : i32
    %eq3A_1 = arith.cmpi eq, %arg0, %eq3A : i32
    %convert_element_type3A = arith.extui %eq3A_1 : i1 to i32
    %cond3A = arith.constant 0 : i32
    %cond3A_2 = arith.cmpi ne, %convert_element_type3A, %cond3A : i32
    scf.if %cond3A_2 {
      %dma_start3A = arith.constant 0 : i32
      %dma_start3A_134 = arith.constant 0 : i32
      %dma_start3A_135 = tpu.memref_slice %arg6[%dma_start3A_134] : memref<2x!tpu.dma_semaphore, #tpu.memory_space<semaphore_mem>> -> memref<1x!tpu.dma_semaphore, #tpu.memory_space<semaphore_mem>>
      %dma_start3A_136 = tpu.memref_squeeze %dma_start3A_135 : memref<1x!tpu.dma_semaphore, #tpu.memory_space<semaphore_mem>> -> memref<!tpu.dma_semaphore, #tpu.memory_space<semaphore_mem>>
      %dma_start3A_137 = arith.constant 0 : i32
      %dma_start3A_138 = arith.constant 0 : i32
      %dma_start3A_139 = tpu.memref_slice %arg5[%dma_start3A, %dma_start3A_137, %dma_start3A_138] : memref<2x1024x64xf32, #tpu.memory_space<vmem>> -> memref<1x1024x64xf32, #tpu.memory_space<vmem>>
      %dma_start3A_140 = tpu.memref_squeeze %dma_start3A_139 : memref<1x1024x64xf32, #tpu.memory_space<vmem>> -> memref<1024x64xf32, #tpu.memory_space<vmem>>
      %dma_start3A_141 = arith.constant 0 : i32
      %dma_start3A_142 = arith.constant 0 : i32
      %dma_start3A_143 = tpu.memref_slice %arg3[%dma_start3A_141, %dma_start3A_142] : memref<100000x64xf32, #tpu.memory_space<any>> -> memref<1024x64xf32, #tpu.memory_space<any>>
      tpu.enqueue_dma source(%dma_start3A_143 : memref<1024x64xf32, #tpu.memory_space<any>>) target(%dma_start3A_140 : memref<1024x64xf32, #tpu.memory_space<vmem>>) target_semaphore(%dma_start3A_136 : memref<!tpu.dma_semaphore, #tpu.memory_space<semaphore_mem>>)
    } else {
    }
    %add3A = arith.constant 1 : i32
    %add3A_3 = arith.addi %arg0, %add3A : i32
    %lt3A = arith.constant 98 : i32
    %lt3A_4 = arith.cmpi slt, %add3A_3, %lt3A : i32
    %convert_element_type3A_5 = arith.extui %lt3A_4 : i1 to i32
    %cond3A_6 = arith.constant 0 : i32
    %cond3A_7 = arith.cmpi ne, %convert_element_type3A_5, %cond3A_6 : i32
    scf.if %cond3A_7 {
      %add3A_134 = arith.constant 1 : i32
      %add3A_135 = arith.addi %arg0, %add3A_134 : i32
      %eq3A_136 = arith.constant 97 : i32
      %eq3A_137 = arith.cmpi eq, %add3A_135, %eq3A_136 : i32
      %mul3A_138 = arith.constant 1024 : i32
      %mul3A_139 = arith.muli %add3A_135, %mul3A_138 : i32
      %jit3A_140 = arith.constant 98976 : i32
      %select_n3A_141 = arith.select %eq3A_137, %jit3A_140, %mul3A_139 : i32
      %sub3A_142 = arith.constant 1 : i32
      %sub3A_143 = arith.subi %sub3A_142, %rem3A_0 : i32
      %sub3A_144 = arith.constant 1 : i32
      %sub3A_145 = arith.subi %sub3A_144, %rem3A_0 : i32
      %dma_start3A = tpu.memref_slice %arg6[%sub3A_145] : memref<2x!tpu.dma_semaphore, #tpu.memory_space<semaphore_mem>> -> memref<1x!tpu.dma_semaphore, #tpu.memory_space<semaphore_mem>>
      %dma_start3A_146 = tpu.memref_squeeze %dma_start3A : memref<1x!tpu.dma_semaphore, #tpu.memory_space<semaphore_mem>> -> memref<!tpu.dma_semaphore, #tpu.memory_space<semaphore_mem>>
      %dma_start3A_147 = arith.constant 0 : i32
      %dma_start3A_148 = arith.constant 0 : i32
      %dma_start3A_149 = tpu.memref_slice %arg5[%sub3A_143, %dma_start3A_147, %dma_start3A_148] : memref<2x1024x64xf32, #tpu.memory_space<vmem>> -> memref<1x1024x64xf32, #tpu.memory_space<vmem>>
      %dma_start3A_150 = tpu.memref_squeeze %dma_start3A_149 : memref<1x1024x64xf32, #tpu.memory_space<vmem>> -> memref<1024x64xf32, #tpu.memory_space<vmem>>
      %dma_start3A_151 = arith.constant 0 : i32
      %dma_start3A_152 = tpu.memref_slice %arg3[%select_n3A_141, %dma_start3A_151] : memref<100000x64xf32, #tpu.memory_space<any>> -> memref<1024x64xf32, #tpu.memory_space<any>>
      tpu.enqueue_dma source(%dma_start3A_152 : memref<1024x64xf32, #tpu.memory_space<any>>) target(%dma_start3A_150 : memref<1024x64xf32, #tpu.memory_space<vmem>>) target_semaphore(%dma_start3A_146 : memref<!tpu.dma_semaphore, #tpu.memory_space<semaphore_mem>>)
    } else {
    }
    %eq3A_8 = arith.constant 97 : i32
    %eq3A_9 = arith.cmpi eq, %arg0, %eq3A_8 : i32
    %mul3A = arith.constant 1024 : i32
    %mul3A_10 = arith.muli %arg0, %mul3A : i32
    %jit3A = arith.constant 98976 : i32
    %select_n3A = arith.select %eq3A_9, %jit3A, %mul3A_10 : i32
    %dma_wait3A = tpu.memref_slice %arg6[%rem3A_0] : memref<2x!tpu.dma_semaphore, #tpu.memory_space<semaphore_mem>> -> memref<1x!tpu.dma_semaphore, #tpu.memory_space<semaphore_mem>>
    %dma_wait3A_11 = tpu.memref_squeeze %dma_wait3A : memref<1x!tpu.dma_semaphore, #tpu.memory_space<semaphore_mem>> -> memref<!tpu.dma_semaphore, #tpu.memory_space<semaphore_mem>>
    %dma_wait3A_12 = arith.constant 0 : i32
    %dma_wait3A_13 = arith.constant 0 : i32
    %dma_wait3A_14 = tpu.memref_slice %arg5[%rem3A_0, %dma_wait3A_12, %dma_wait3A_13] : memref<2x1024x64xf32, #tpu.memory_space<vmem>> -> memref<1x1024x64xf32, #tpu.memory_space<vmem>>
    %dma_wait3A_15 = tpu.memref_squeeze %dma_wait3A_14 : memref<1x1024x64xf32, #tpu.memory_space<vmem>> -> memref<1024x64xf32, #tpu.memory_space<vmem>>
    %dma_wait3A_16 = arith.constant 0 : i32
    %dma_wait3A_17 = tpu.memref_slice %arg3[%select_n3A, %dma_wait3A_16] : memref<100000x64xf32, #tpu.memory_space<any>> -> memref<1024x64xf32, #tpu.memory_space<any>>
    tpu.wait_dma2 semaphore(%dma_wait3A_11 : memref<!tpu.dma_semaphore, #tpu.memory_space<semaphore_mem>>) src(%dma_wait3A_17 : memref<1024x64xf32, #tpu.memory_space<any>>) dst(%dma_wait3A_15 : memref<1024x64xf32, #tpu.memory_space<vmem>>)
    %get3A = arith.index_cast %rem3A_0 : i32 to index
    %get3A_18 = arith.constant 0 : index
    %get3A_19 = arith.constant 0 : index
    %get3A_20 = vector.load %arg5[%get3A, %get3A_18, %get3A_19] : memref<2x1024x64xf32, #tpu.memory_space<vmem>>, vector<1x1024x64xf32>
    %get3A_21 = vector.shape_cast %get3A_20 : vector<1x1024x64xf32> to vector<1024x64xf32>
    %sub3A = arith.constant 9.99999997E-7 : f32
    %sub3A_22 = vector.broadcast %sub3A : f32 to vector<1024x64xf32>
    %sub3A_23 = arith.subf %get3A_21, %sub3A_22 : vector<1024x64xf32>
    %mul3A_24 = arith.mulf %sub3A_23, %sub3A_23 : vector<1024x64xf32>
    %reduce_sum3A = arith.constant dense<0.000000e+00> : vector<1024xf32>
    %reduce_sum3A_25 = vector.multi_reduction <add>, %mul3A_24, %reduce_sum3A [1] : vector<1024x64xf32> to vector<1024xf32>
    %broadcast_in_dim3A = vector.shape_cast %reduce_sum3A_25 : vector<1024xf32> to vector<1024x1xf32>
    %mul3A_26 = arith.constant -2.000000e+00 : f32
    %mul3A_27 = vector.broadcast %mul3A_26 : f32 to vector<1024x64xf32>
    %mul3A_28 = arith.mulf %sub3A_23, %mul3A_27 : vector<1024x64xf32>
    %broadcast_in_dim3A_29 = arith.constant 0.000000e+00 : f32
    %broadcast_in_dim3A_30 = vector.broadcast %broadcast_in_dim3A_29 : f32 to vector<1024x63xf32>
    %concatenate3A = tpu.concatenate %mul3A_28, %broadcast_in_dim3A, %broadcast_in_dim3A_30 in 1 : vector<1024x64xf32>, vector<1024x1xf32>, vector<1024x63xf32> -> vector<1024x128xf32>
    %get3A_31 = arith.constant 0 : index
    %get3A_32 = arith.constant 0 : index
    %get3A_33 = vector.load %arg1[%get3A_31, %get3A_32] : memref<1024x128xf32, #tpu.memory_space<vmem>>, vector<1024x128xf32>
    %dot_general3A = arith.constant dense<0.000000e+00> : vector<1024x1024xf32>
    %dot_general3A_34 = tpu.matmul %get3A_33, %concatenate3A, %dot_general3A {dimension_numbers = #tpu.dot_dimension_numbers<[1], [1], [0], [0], [0, 0, 1, 0], [], []>, transpose_lhs_hint = false} : vector<1024x128xf32>, vector<1024x128xf32>, vector<1024x1024xf32> -> vector<1024x1024xf32>
    %eq3A_35 = arith.constant 0 : i32
    %eq3A_36 = arith.cmpi eq, %arg0, %eq3A_35 : i32
    %convert_element_type3A_37 = arith.extui %eq3A_36 : i1 to i32
    %cond3A_38 = arith.constant 0 : i32
    %cond3A_39 = arith.cmpi ne, %convert_element_type3A_37, %cond3A_38 : i32
    scf.if %cond3A_39 {
      %broadcast_in_dim3A_134 = arith.constant 0x7F800000 : f32
      %broadcast_in_dim3A_135 = vector.broadcast %broadcast_in_dim3A_134 : f32 to vector<1024x128xf32>
      %swap3A_136 = arith.constant 0 : index
      %swap3A_137 = arith.constant 0 : index
      %swap3A_138 = vector.load %arg4[%swap3A_136, %swap3A_137] : memref<1024x128xf32, #tpu.memory_space<vmem>>, vector<1024x128xf32>
      tpu.vector_store %arg4[%swap3A_136, %swap3A_137], %broadcast_in_dim3A_135 {strides = array<i32>} : memref<1024x128xf32, #tpu.memory_space<vmem>>, vector<1024x128xf32>,
    } else {
    }
    %get3A_40 = arith.constant 0 : index
    %get3A_41 = arith.constant 0 : index
    %get3A_42 = vector.load %arg2[%get3A_40, %get3A_41] : memref<1024x1xi32, #tpu.memory_space<vmem>>, vector<1024x1xi32>
    %eq3A_43 = arith.constant 97 : i32
    %eq3A_44 = arith.cmpi eq, %arg0, %eq3A_43 : i32
    %mul3A_45 = arith.constant 1024 : i32
    %mul3A_46 = arith.muli %arg0, %mul3A_45 : i32
    %jit3A_47 = arith.constant 98976 : i32
    %select_n3A_48 = arith.select %eq3A_44, %jit3A_47, %mul3A_46 : i32
    %sub3A_49 = vector.broadcast %select_n3A_48 : i32 to vector<1024x1xi32>
    %sub3A_50 = arith.subi %get3A_42, %sub3A_49 : vector<1024x1xi32>
    %iota3A = tpu.iota {dimensions = array<i32: 1>} : vector<1024x128xi32>
    %get3A_51 = arith.constant 0 : index
    %get3A_52 = arith.constant 0 : index
    %get3A_53 = vector.load %arg4[%get3A_51, %get3A_52] : memref<1024x128xf32, #tpu.memory_space<vmem>>, vector<1024x128xf32>
    %slice3A = vector.extract_strided_slice %dot_general3A_34 {offsets = [0, 0], sizes = [1024, 128], strides = [1, 1]} : vector<1024x1024xf32> to vector<1024x128xf32>
    %add3A_54 = arith.constant 0 : i32
    %add3A_55 = vector.broadcast %add3A_54 : i32 to vector<1024x128xi32>
    %add3A_56 = arith.addi %iota3A, %add3A_55 : vector<1024x128xi32>
    %eq3A_57 = vector.broadcast %sub3A_50 : vector<1024x1xi32> to vector<1024x128xi32>
    %eq3A_58 = arith.cmpi eq, %add3A_56, %eq3A_57 : vector<1024x128xi32>
    %jit3A_59 = arith.constant 0x7F800000 : f32
    %broadcast_in_dim3A_60 = vector.broadcast %jit3A_59 : f32 to vector<1024x128xf32>
    %select_n3A_61 = arith.select %eq3A_58, %broadcast_in_dim3A_60, %slice3A : vector<1024x128xi1>, vector<1024x128xf32>
    %min3A = arith.minimumf %get3A_53, %select_n3A_61 : vector<1024x128xf32>
    %slice3A_62 = vector.extract_strided_slice %dot_general3A_34 {offsets = [0, 128], sizes = [1024, 128], strides = [1, 1]} : vector<1024x1024xf32> to vector<1024x128xf32>
    %add3A_63 = arith.constant 128 : i32
    %add3A_64 = vector.broadcast %add3A_63 : i32 to vector<1024x128xi32>
    %add3A_65 = arith.addi %iota3A, %add3A_64 : vector<1024x128xi32>
    %eq3A_66 = vector.broadcast %sub3A_50 : vector<1024x1xi32> to vector<1024x128xi32>
    %eq3A_67 = arith.cmpi eq, %add3A_65, %eq3A_66 : vector<1024x128xi32>
    %jit3A_68 = arith.constant 0x7F800000 : f32
    %broadcast_in_dim3A_69 = vector.broadcast %jit3A_68 : f32 to vector<1024x128xf32>
    %select_n3A_70 = arith.select %eq3A_67, %broadcast_in_dim3A_69, %slice3A_62 : vector<1024x128xi1>, vector<1024x128xf32>
    %min3A_71 = arith.minimumf %min3A, %select_n3A_70 : vector<1024x128xf32>
    %slice3A_72 = vector.extract_strided_slice %dot_general3A_34 {offsets = [0, 256], sizes = [1024, 128], strides = [1, 1]} : vector<1024x1024xf32> to vector<1024x128xf32>
    %add3A_73 = arith.constant 256 : i32
    %add3A_74 = vector.broadcast %add3A_73 : i32 to vector<1024x128xi32>
    %add3A_75 = arith.addi %iota3A, %add3A_74 : vector<1024x128xi32>
    %eq3A_76 = vector.broadcast %sub3A_50 : vector<1024x1xi32> to vector<1024x128xi32>
    %eq3A_77 = arith.cmpi eq, %add3A_75, %eq3A_76 : vector<1024x128xi32>
    %jit3A_78 = arith.constant 0x7F800000 : f32
    %broadcast_in_dim3A_79 = vector.broadcast %jit3A_78 : f32 to vector<1024x128xf32>
    %select_n3A_80 = arith.select %eq3A_77, %broadcast_in_dim3A_79, %slice3A_72 : vector<1024x128xi1>, vector<1024x128xf32>
    %min3A_81 = arith.minimumf %min3A_71, %select_n3A_80 : vector<1024x128xf32>
    %slice3A_82 = vector.extract_strided_slice %dot_general3A_34 {offsets = [0, 384], sizes = [1024, 128], strides = [1, 1]} : vector<1024x1024xf32> to vector<1024x128xf32>
    %add3A_83 = arith.constant 384 : i32
    %add3A_84 = vector.broadcast %add3A_83 : i32 to vector<1024x128xi32>
    %add3A_85 = arith.addi %iota3A, %add3A_84 : vector<1024x128xi32>
    %eq3A_86 = vector.broadcast %sub3A_50 : vector<1024x1xi32> to vector<1024x128xi32>
    %eq3A_87 = arith.cmpi eq, %add3A_85, %eq3A_86 : vector<1024x128xi32>
    %jit3A_88 = arith.constant 0x7F800000 : f32
    %broadcast_in_dim3A_89 = vector.broadcast %jit3A_88 : f32 to vector<1024x128xf32>
    %select_n3A_90 = arith.select %eq3A_87, %broadcast_in_dim3A_89, %slice3A_82 : vector<1024x128xi1>, vector<1024x128xf32>
    %min3A_91 = arith.minimumf %min3A_81, %select_n3A_90 : vector<1024x128xf32>
    %slice3A_92 = vector.extract_strided_slice %dot_general3A_34 {offsets = [0, 512], sizes = [1024, 128], strides = [1, 1]} : vector<1024x1024xf32> to vector<1024x128xf32>
    %add3A_93 = arith.constant 512 : i32
    %add3A_94 = vector.broadcast %add3A_93 : i32 to vector<1024x128xi32>
    %add3A_95 = arith.addi %iota3A, %add3A_94 : vector<1024x128xi32>
    %eq3A_96 = vector.broadcast %sub3A_50 : vector<1024x1xi32> to vector<1024x128xi32>
    %eq3A_97 = arith.cmpi eq, %add3A_95, %eq3A_96 : vector<1024x128xi32>
    %jit3A_98 = arith.constant 0x7F800000 : f32
    %broadcast_in_dim3A_99 = vector.broadcast %jit3A_98 : f32 to vector<1024x128xf32>
    %select_n3A_100 = arith.select %eq3A_97, %broadcast_in_dim3A_99, %slice3A_92 : vector<1024x128xi1>, vector<1024x128xf32>
    %min3A_101 = arith.minimumf %min3A_91, %select_n3A_100 : vector<1024x128xf32>
    %slice3A_102 = vector.extract_strided_slice %dot_general3A_34 {offsets = [0, 640], sizes = [1024, 128], strides = [1, 1]} : vector<1024x1024xf32> to vector<1024x128xf32>
    %add3A_103 = arith.constant 640 : i32
    %add3A_104 = vector.broadcast %add3A_103 : i32 to vector<1024x128xi32>
    %add3A_105 = arith.addi %iota3A, %add3A_104 : vector<1024x128xi32>
    %eq3A_106 = vector.broadcast %sub3A_50 : vector<1024x1xi32> to vector<1024x128xi32>
    %eq3A_107 = arith.cmpi eq, %add3A_105, %eq3A_106 : vector<1024x128xi32>
    %jit3A_108 = arith.constant 0x7F800000 : f32
    %broadcast_in_dim3A_109 = vector.broadcast %jit3A_108 : f32 to vector<1024x128xf32>
    %select_n3A_110 = arith.select %eq3A_107, %broadcast_in_dim3A_109, %slice3A_102 : vector<1024x128xi1>, vector<1024x128xf32>
    %min3A_111 = arith.minimumf %min3A_101, %select_n3A_110 : vector<1024x128xf32>
    %slice3A_112 = vector.extract_strided_slice %dot_general3A_34 {offsets = [0, 768], sizes = [1024, 128], strides = [1, 1]} : vector<1024x1024xf32> to vector<1024x128xf32>
    %add3A_113 = arith.constant 768 : i32
    %add3A_114 = vector.broadcast %add3A_113 : i32 to vector<1024x128xi32>
    %add3A_115 = arith.addi %iota3A, %add3A_114 : vector<1024x128xi32>
    %eq3A_116 = vector.broadcast %sub3A_50 : vector<1024x1xi32> to vector<1024x128xi32>
    %eq3A_117 = arith.cmpi eq, %add3A_115, %eq3A_116 : vector<1024x128xi32>
    %jit3A_118 = arith.constant 0x7F800000 : f32
    %broadcast_in_dim3A_119 = vector.broadcast %jit3A_118 : f32 to vector<1024x128xf32>
    %select_n3A_120 = arith.select %eq3A_117, %broadcast_in_dim3A_119, %slice3A_112 : vector<1024x128xi1>, vector<1024x128xf32>
    %min3A_121 = arith.minimumf %min3A_111, %select_n3A_120 : vector<1024x128xf32>
    %slice3A_122 = vector.extract_strided_slice %dot_general3A_34 {offsets = [0, 896], sizes = [1024, 128], strides = [1, 1]} : vector<1024x1024xf32> to vector<1024x128xf32>
    %add3A_123 = arith.constant 896 : i32
    %add3A_124 = vector.broadcast %add3A_123 : i32 to vector<1024x128xi32>
    %add3A_125 = arith.addi %iota3A, %add3A_124 : vector<1024x128xi32>
    %eq3A_126 = vector.broadcast %sub3A_50 : vector<1024x1xi32> to vector<1024x128xi32>
    %eq3A_127 = arith.cmpi eq, %add3A_125, %eq3A_126 : vector<1024x128xi32>
    %jit3A_128 = arith.constant 0x7F800000 : f32
    %broadcast_in_dim3A_129 = vector.broadcast %jit3A_128 : f32 to vector<1024x128xf32>
    %select_n3A_130 = arith.select %eq3A_127, %broadcast_in_dim3A_129, %slice3A_122 : vector<1024x128xi1>, vector<1024x128xf32>
    %min3A_131 = arith.minimumf %min3A_121, %select_n3A_130 : vector<1024x128xf32>
    %swap3A = arith.constant 0 : index
    %swap3A_132 = arith.constant 0 : index
    %swap3A_133 = vector.load %arg4[%swap3A, %swap3A_132] : memref<1024x128xf32, #tpu.memory_space<vmem>>, vector<1024x128xf32>
    tpu.vector_store %arg4[%swap3A, %swap3A_132], %min3A_131 {strides = array<i32>} : memref<1024x128xf32, #tpu.memory_space<vmem>>, vector<1024x128xf32>,
    return
  }
  func.func @transform_0(%arg0: i32) -> (i32, i32) {
    %c0_i32 = arith.constant 0 : i32
    %c0_i32_0 = arith.constant 0 : i32
    %c0_i32_1 = arith.constant 0 : i32
    return %c0_i32, %c0_i32_0 : i32, i32
  }
  func.func @transform_1(%arg0: i32) -> (i32, i32) {
    %c0_i32 = arith.constant 0 : i32
    %c0_i32_0 = arith.constant 0 : i32
    %c0_i32_1 = arith.constant 0 : i32
    return %c0_i32, %c0_i32_0 : i32, i32
  }
  func.func @transform_3(%arg0: i32) -> (i32, i32) {
    %c0_i32 = arith.constant 0 : i32
    %c0_i32_0 = arith.constant 0 : i32
    %c0_i32_1 = arith.constant 0 : i32
    return %c0_i32, %c0_i32_0 : i32, i32
  }
}

module attributes {stable_mosaic.version = 14 : i64} {
  func.func @_final_body(%arg0: memref<1024x128xf32, #tpu.memory_space<vmem>>, %arg1: memref<1024x64xf32, #tpu.memory_space<vmem>>, %arg2: memref<1024x64xf32, #tpu.memory_space<vmem>>, %arg3: memref<1x1xf32, #tpu.memory_space<smem>>) attributes {dimension_semantics = [], scalar_prefetch = 0 : i64, scratch_operands = 0 : i64, tpu.core_type = #tpu.core_type<tc>} {
    %get3A = arith.constant 0 : index
    %get3A_0 = arith.constant 0 : index
    %get3A_1 = vector.load %arg1[%get3A, %get3A_0] : memref<1024x64xf32, #tpu.memory_space<vmem>>, vector<1024x64xf32>
    %mul3A = arith.mulf %get3A_1, %get3A_1 : vector<1024x64xf32>
    %reduce_sum3A = arith.constant dense<0.000000e+00> : vector<1024xf32>
    %reduce_sum3A_2 = vector.multi_reduction <add>, %mul3A, %reduce_sum3A [1] : vector<1024x64xf32> to vector<1024xf32>
    %broadcast_in_dim3A = vector.shape_cast %reduce_sum3A_2 : vector<1024xf32> to vector<1024x1xf32>
    %get3A_3 = arith.constant 0 : index
    %get3A_4 = arith.constant 0 : index
    %get3A_5 = vector.load %arg0[%get3A_3, %get3A_4] : memref<1024x128xf32, #tpu.memory_space<vmem>>, vector<1024x128xf32>
    %reduce_min3A = arith.constant dense<0x7F800000> : vector<1024xf32>
    %reduce_min3A_6 = vector.multi_reduction <minimumf>, %get3A_5, %reduce_min3A [1] : vector<1024x128xf32> to vector<1024xf32>
    %broadcast_in_dim3A_7 = vector.shape_cast %reduce_min3A_6 : vector<1024xf32> to vector<1024x1xf32>
    %add3A = arith.addf %broadcast_in_dim3A, %broadcast_in_dim3A_7 : vector<1024x1xf32>
    %jit3A = arith.constant 9.99999996E-13 : f32
    %max3A = vector.broadcast %jit3A : f32 to vector<1024x1xf32>
    %max3A_8 = arith.maximumf %max3A, %add3A : vector<1024x1xf32>
    %sqrt3A = math.sqrt %max3A_8 : vector<1024x1xf32>
    %get3A_9 = arith.constant 0 : index
    %get3A_10 = arith.constant 0 : index
    %get3A_11 = vector.load %arg2[%get3A_9, %get3A_10] : memref<1024x64xf32, #tpu.memory_space<vmem>>, vector<1024x64xf32>
    %sub3A = arith.subf %get3A_1, %get3A_11 : vector<1024x64xf32>
    %add3A_12 = arith.constant 9.99999997E-7 : f32
    %add3A_13 = vector.broadcast %add3A_12 : f32 to vector<1024x64xf32>
    %add3A_14 = arith.addf %sub3A, %add3A_13 : vector<1024x64xf32>
    %mul3A_15 = arith.mulf %add3A_14, %add3A_14 : vector<1024x64xf32>
    %reduce_sum3A_16 = arith.constant dense<0.000000e+00> : vector<1024xf32>
    %reduce_sum3A_17 = vector.multi_reduction <add>, %mul3A_15, %reduce_sum3A_16 [1] : vector<1024x64xf32> to vector<1024xf32>
    %broadcast_in_dim3A_18 = vector.shape_cast %reduce_sum3A_17 : vector<1024xf32> to vector<1024x1xf32>
    %jit3A_19 = arith.constant 9.99999996E-13 : f32
    %max3A_20 = vector.broadcast %jit3A_19 : f32 to vector<1024x1xf32>
    %max3A_21 = arith.maximumf %max3A_20, %broadcast_in_dim3A_18 : vector<1024x1xf32>
    %sqrt3A_22 = math.sqrt %max3A_21 : vector<1024x1xf32>
    %sub3A_23 = arith.subf %sqrt3A_22, %sqrt3A : vector<1024x1xf32>
    %add3A_24 = arith.constant 1.000000e+00 : f32
    %add3A_25 = vector.broadcast %add3A_24 : f32 to vector<1024x1xf32>
    %add3A_26 = arith.addf %sub3A_23, %add3A_25 : vector<1024x1xf32>
    %max3A_27 = arith.constant 0.000000e+00 : f32
    %max3A_28 = vector.broadcast %max3A_27 : f32 to vector<1024x1xf32>
    %max3A_29 = arith.maximumf %add3A_26, %max3A_28 : vector<1024x1xf32>
    %reduce_sum3A_30 = vector.shape_cast %max3A_29 : vector<1024x1xf32> to vector<1x1024x1xf32>
    %reduce_sum3A_31 = arith.constant dense<0.000000e+00> : vector<1xf32>
    %reduce_sum3A_32 = vector.multi_reduction <add>, %reduce_sum3A_30, %reduce_sum3A_31 [1, 2] : vector<1x1024x1xf32> to vector<1xf32>
    %reduce_sum3A_33 = vector.shape_cast %reduce_sum3A_32 : vector<1xf32> to vector<1x1x1xf32>
    %reduce_sum3A_34 = vector.extract %reduce_sum3A_33[0, 0, 0] : f32 from vector<1x1x1xf32>
    %div3A = arith.constant 1.024000e+03 : f32
    %div3A_35 = arith.divf %reduce_sum3A_34, %div3A : f32
    %swap3A = arith.constant 0 : index
    %swap3A_36 = arith.constant 0 : index
    %swap3A_37 = memref.load %arg3[%swap3A, %swap3A_36] : memref<1x1xf32, #tpu.memory_space<smem>>
    memref.store %div3A_35, %arg3[%swap3A, %swap3A_36] : memref<1x1xf32, #tpu.memory_space<smem>>
    return
  }
}

</mosaic_0001>

<sc_bundles>
// kernel: kernel.5.cloned.1.call-start
scs
__scs_entry_jumppad:
0x0: {  	(pc) =	sbr.rel $0x88, $3  }
0x1: {  	(tag) =	ssettag $0x0;
	lr =	simm.s32 $0x1  }
0x2: {  	[smem:$0x3F9E] =	sst lr;
	_ =	strace $0xD0000000  }
0x3: {  	_ = 	snop  }
0x4: {  	_ = 	snop  }
0x5: {  	_ = 	snop  }
0x6: {  	_ = 	snop  }
0x7: {  	_ = 	snop  }
__scs_overlays_trampoline_lowered:
0x8: {  	[smem:$0x3FAD] =	sst s0  }
0x9: {  	[smem:$0x3FAE] =	sst s1  }
0xa: {  	[smem:$0x3FAF] =	sst s2  }
0xb: {  	[smem:$0x3FB0] =	sst s3  }
0xc: {  	[smem:$0x3FB1] =	sst s4  }
0xd: {  	[smem:$0x3FB2] =	sst s5  }
0xe: {  	[smem:$0x3FB3] =	sst s6  }
0xf: {  	[smem:$0x3FB4] =	sst s7  }
0x10: {  	[smem:$0x3FB5] =	sst s8  }
0x11: {  	[smem:$0x3FB6] =	sst s9;
	s0 =	simm.s32 @!p0 $0x0  }
0x12: {  	s1 =	sld [smem:$0x3F9C];
	s0 =	simm.s32 @p0 $0x1  }
0x13: {  	[smem:$0x3FB7] =	sst s0;
	s0 =	simm.s32 @!p1 $0x0  }
0x14: {  	s2 =	sld [smem:$0x3F9B];
	s0 =	simm.s32 @p1 $0x1  }
0x15: {  	[smem:$0x3FB8] =	sst s0;
	s0 =	simm.s32 @!p2 $0x0  }
0x16: {  	s3 =	sld [smem:$0x3FDB];
	s0 =	simm.s32 @p2 $0x1  }
0x17: {  	s4 =	simm.s32 $0x1BF5;
	[smem:$0x3FBA] =	sst s0  }
0x18: {  	s0 =	sld [smem:$0x3F9D];
	_ =	swait.ge [sflag:s4], $0x0  }
0x19: {  	s7 =	sld [smem:$0x3F9E]  }
0x1a: {  	s8 =	sadd.s32 $0xFFFFE003, lr  }
0x1b: {  	s9 =	sadd.s32 $0xFFFFFEF7, lr;
	s5 =	simm.s32 $0xFFFFFFFF;
	p2 =	slt.u32 s8, $0xFFFFF086  }
0x1c: {  	p1 =	slt.u32 s9, $0xF7A;
	s5 =	simm.s32 @!p2 $0x0  }
0x1d: {  	s5 =	simm.s32 @p1 $0x1;
	p0 =	seq.s32 s7, s2  }
0x1e: {  	s7 =	smul.u32 @!p0 $0xF7A, s2;
	p2 =	seq.s32 @!p0 s5, $0x0  }
0x1f: {  	s9 =	smul.u32 $0xF7A, s1;
	s8 =	simm.s32 @!p0 $0x1BF5;
	p2 =	por !p2, p0  }
0x20: {  	[sflag:s8] =	ssyncset.s32 @!p0 $0xFFFFF086;
	s6 =	sadd.s32 @!p0 s3, s7;
	s7 =	simm.s32 @!p0 $0x108  }
0x21: {  	s3 =	sadd.s32 s3, s9;
	s6 =	sadd.s32 @!p0 $0x88, s6;
	s7 =	simm.s32 @p2 $0x1082  }
0x22: {  	[simem:s7], [sflag:s8] =	dma.local @!p0 [hbm:s6], $0xF7A  }
0x23: {  	s9 =	sor.u32 $0xD0000000, s2;
	s6 =	simm.s32 $0x108;
	_ =	swait.ge @!p0 [sflag:s8], $0x0  }
0x24: {  	s3 =	sadd.s32 $0x88, s3;
	s6 =	simm.s32 @!p1 $0x1082;
	[sflag:s4] =	ssyncset.s32 $0xFFFFF086  }
0x25: {  	[simem:s6], [sflag:s4] =	dma.local [hbm:s3], $0xF7A  }
0x26: {  	[smem:$0x3F9E] =	sst s1;
	(tag) =	ssettag s2;
	_ =	strace s9  }
0x27: {  	s1 =	sld [smem:$0x3FAE]  }
0x28: {  	s2 =	sld [smem:$0x3FAF]  }
0x29: {  	s4 =	sld [smem:$0x3FB1]  }
0x2a: {  	p0 =	seq.s32 s5, $0x0;
	s5 =	sld [smem:$0x3FB2]  }
0x2b: {  	s6 =	sld [smem:$0x3FB3]  }
0x2c: {  	s7 =	sld [smem:$0x3FB4]  }
0x2d: {  	s3 =	simm.s32 $0x108;
	s8 =	sld [smem:$0x3FB5]  }
0x2e: {  	s3 =	simm.s32 @!p0 $0x1082;
	s9 =	sld [smem:$0x3FB6]  }
0x2f: {  	lr =	sadd.s32 s0, s3;
	s0 =	sld [smem:$0x3FAD]  }
0x30: {  	s3 =	sld [smem:$0x3FB0]  }
0x31: {  	[smem:$0x3FB9] =	sst s10  }
0x32: {  	s10 =	sld [smem:$0x3FB7];
	_ =	sdelay $0x3  }
0x33: {  	p0 =	seq.s32 s10, $0x1;
	s10 =	sld [smem:$0x3FB9];
	_ =	sdelay $0x3  }
0x34: {  	[smem:$0x3FB9] =	sst s10  }
0x35: {  	s10 =	sld [smem:$0x3FB8];
	_ =	sdelay $0x3  }
0x36: {  	p1 =	seq.s32 s10, $0x1;
	s10 =	sld [smem:$0x3FB9];
	_ =	sdelay $0x3  }
0x37: {  	[smem:$0x3FB9] =	sst s10  }
0x38: {  	s10 =	sld [smem:$0x3FBA]  }
0x39: {  	_ = 	snop;
	(pc) =	sbr.ind lr, $3  }
0x3a: {  	_ = 	snop  }
0x3b: {  	_ = 	snop  }
0x3c: {  	p2 =	seq.s32 s10, $0x1;
	s10 =	sld [smem:$0x3FB9]  }
0x3d: {  	_ =	shalt  }
0x3e: {  	_ =	shalt  }
0x3f: {  	_ =	shalt  }
0x40: {  	_ =	shalt  }
0x41: {  	_ =	shalt  }
0x42: {  	_ =	shalt  }
0x43: {  	_ =	shalt  }
0x44: {  	_ =	shalt  }
0x45: {  	_ =	shalt  }
0x46: {  	_ =	shalt  }
0x47: {  	_ =	shalt  }
0x48: {  	_ =	shalt  }
0x49: {  	_ =	shalt  }
0x4a: {  	_ =	shalt  }
0x4b: {  	_ =	shalt  }
0x4c: {  	_ =	shalt  }
0x4d: {  	_ =	shalt  }
0x4e: {  	_ =	shalt  }
0x4f: {  	_ =	shalt  }
0x50: {  	_ =	shalt  }
0x51: {  	_ =	shalt  }
0x52: {  	_ =	shalt  }
0x53: {  	_ =	shalt  }
0x54: {  	_ =	shalt  }
0x55: {  	_ =	shalt  }
0x56: {  	_ =	shalt  }
0x57: {  	_ =	shalt  }
0x58: {  	_ =	shalt  }
0x59: {  	_ =	shalt  }
0x5a: {  	_ =	shalt  }
0x5b: {  	_ =	shalt  }
0x5c: {  	_ =	shalt  }
0x5d: {  	_ =	shalt  }
0x5e: {  	_ =	shalt  }
0x5f: {  	_ =	shalt  }
0x60: {  	_ =	shalt  }
0x61: {  	_ =	shalt  }
0x62: {  	_ =	shalt  }
0x63: {  	_ =	shalt  }
0x64: {  	_ =	shalt  }
0x65: {  	_ =	shalt  }
0x66: {  	_ =	shalt  }
0x67: {  	_ =	shalt  }
0x68: {  	_ =	shalt  }
0x69: {  	_ =	shalt  }
0x6a: {  	_ =	shalt  }
0x6b: {  	_ =	shalt  }
0x6c: {  	_ =	shalt  }
0x6d: {  	_ =	shalt  }
0x6e: {  	_ =	shalt  }
0x6f: {  	_ =	shalt  }
0x70: {  	_ =	shalt  }
0x71: {  	_ =	shalt  }
0x72: {  	_ =	shalt  }
0x73: {  	_ =	shalt  }
0x74: {  	_ =	shalt  }
0x75: {  	_ =	shalt  }
0x76: {  	_ =	shalt  }
0x77: {  	_ =	shalt  }
0x78: {  	_ =	shalt  }
0x79: {  	_ =	shalt  }
0x7a: {  	_ =	shalt  }
0x7b: {  	_ =	shalt  }
0x7c: {  	_ =	shalt  }
0x7d: {  	_ =	shalt  }
0x7e: {  	_ =	shalt  }
0x7f: {  	_ =	shalt  }
0x80: {  	_ =	shalt  }
0x81: {  	_ =	shalt  }
0x82: {  	_ =	shalt  }
0x83: {  	_ =	shalt  }
0x84: {  	_ =	shalt  }
0x85: {  	_ =	shalt  }
0x86: {  	_ =	shalt  }
0x87: {  	_ =	shalt  }
.Lfunc_end0:
.L_simem_size_0:
called_computation_lowered:
.L_overlay_start_0:
0x88: {  	s2 =	sld [smem:$0x3FD9]  }
0x89: {  	s3 =	sld [smem:$0x3FFE];
	_ =	sdelay $0x1  }
0x8a: {  	s1 =	srdreg.scid  }
0x8b: {  	s0 =	sand.u32 $0x1, s1  }
0x8c: {  	s17 =	sshll.u32 s0, $0xA;
	s2 =	sadd.s32 s3, s2  }
0x8d: {  	s2 =	sadd.s32 s2, s17  }
0x8e: {  	[smem:$0x3FC5] =	sst s2  }
0x8f: {  	_ = 	snop  }
0x90: {  	s2 =	sld [smem:$0x3FC8];
	(tm) =	ssettm $0x1  }
0x91: {  	s18 =	sld [smem:$0x3FFB];
	_ =	sdelay $0x3  }
0x92: {  	_ =	strace s18  }
0x93: {  	s3 =	sld [smem:$0x3FFC];
	_ =	sdelay $0x3  }
0x94: {  	_ =	strace s3  }
0x95: {  	s3 =	sld [smem:$0x3FFD];
	_ =	sdelay $0x3  }
0x96: {  	_ =	strace s3  }
0x97: {  	_ =	strace $0x8FFFFFFF  }
0x98: {  	s19 =	sld [smem:$0x3FDB];
	_ =	sdelay $0x1  }
0x99: {  	s4 =	simm.s32 $_scs_section_size  }
0x9a: {  	s5 =	simm.s32 $_size__tile_overlayer_lowered;
	s6 =	simm.s32 $_tile_overlayer_lowered  }
0x9b: {  	s22 =	simm.s32 $0x1BFF;
	s21 =	sshll.u32 s6, $0x1;
	s3 =	sadd.s32 s4, s19  }
0x9c: {  	s7 =	simm.s32 $0x0;
	s20 =	sshll.u32 s5, $0x1;
	s5 =	sadd.s32 s21, s3  }
0x9d: {  	[timem:s7], [sflag:s22] =	dma.local [hbm:s5], s20  }
0x9e: {  	_ =	swait.ge [sflag:s22], s20  }
0x9f: {  	s4 =	ssub.s32 $0x0, s20;
	[sflag:s22] =	ssyncset.done $0x0  }
0xa0: {  	[sflag:s22] =	ssyncadd.s32 s4;
	_ =	sdelay $0x1  }
0xa1: {  	s23 =	simm.s32 $0x1B8B  }
0xa2: {  	_ =	swait.ge [sflag:s23], $0x1  }
0xa3: {  	[sflag:s23] =	ssyncset.done $0x0  }
0xa4: {  	s25 =	simm.s32 $0x1B8E;
	s24 =	sld [smem:$0x3FFE];
	[sflag:s23] =	ssyncadd.s32 $0xFFFFFFFF  }
0xa5: {  	s26 =	simm.s32 $execute0_lowered;
	[smem:$0x3FD2] =	sst s25  }
0xa6: {  	s5 =	sshll.u32 s26, $0x1;
	_ =	strace $0x80000046;
	[dreg:$0x1] =	wrdreg $0xFFFFFFFF  }
0xa7: {  	s28 =	simm.s32 $_size_execute0_lowered;
	s3 =	sadd.s32 s3, s5;
	[dreg:$0x0] =	wrdreg $0x0  }
0xa8: {  	s5 =	sshll.u32 s28, $0x1;
	[dreg:$0x2] =	wrdreg s3  }
0xa9: {  	[dreg:$0x3] =	wrdreg s5  }
0xaa: {  	[dreg:$0x4] =	wrdreg $0xC0  }
0xab: {  	_ =	task [dreg:s7], $0x5FFFF  }
0xac: {  	[dreg:$0x1] =	wrdreg $0xFFFFFFFF  }
0xad: {  	[dreg:$0x0] =	wrdreg $0x60  }
0xae: {  	[dreg:$0x2] =	wrdreg s24  }
0xaf: {  	[dreg:$0x3] =	wrdreg s2  }
0xb0: {  	[dreg:$0x4] =	wrdreg $0x9  }
0xb1: {  	_ =	task.clear_ibuf [dreg:s7], $0x5FFFF;
	_ =	strace $0x90000046  }
0xb2: {  	s29 =	simm.s32 $0x9;
	_ =	strace $0x80000048  }
0xb3: {  	_ =	swait.ge [sflag:s29], $0x1  }
0xb4: {  	[sflag:s29] =	ssyncadd.s32 $0xFFFFFFFF  }
0xb5: {  	_ =	strace $0x90000048  }
0xb6: {  	_ =	sfence  }
0xb7: {  	s30 =	sld [smem:$0x0];
	_ =	sdelay $0x2  }
0xb8: {  	s31 =	sshll.u32 s1, $0xD;
	s1 =	sshrl.u32 s1, $0x2  }
0xb9: {  	s3 =	sand.u32 $0x4000, s31;
	s1 =	sadd.s32 s1, s30  }
0xba: {  	s0 =	sor.u32 s3, s0;
	s1 =	sshll.u32 s1, $0x11  }
0xbb: {  	s0 =	sor.u32 s1, s0  }
0xbc: {  	s0 =	sadd.s32 $0x8F2B, s0  }
0xbd: {  	[sflag:s0] =	ssyncadd.remote.s32 $0x1  }
0xbe: {  	_ =	sfence.sel $0xFFFF  }
0xbf: {  	[dreg:$0x0] =	wrdreg $0xFFFFFFFF;
	(pc) =	sbr.abs _section_cstart, $3  }
0xc0: {  	[dreg:$0x1] =	wrdreg $0xFFFFFFFF  }
0xc1: {  	_ =	task.clear_ibuf [dreg:s7], $0x2FFFF;
	_ =	strace $0x9FFFFFFF  }
0xc2: {  	(tm) =	ssettm $0x7FFFFFFF  }
0xc3: {  	_ =	shalt  }
tec
execute0_lowered:
.L_overlay_start_1:
0x0: {  	(tag) =	ssettag $0x1  }
0x1: {  	s1 =	srdreg.scid  }
0x2: {  	s8 =	rddreg [dreg:$0x0];
	s0 =	stileid.u32  }
0x3: {  	s3 =	rddreg [dreg:$0x1];
	s2 =	simm.s32 $0x0;
	s6 =	sand.u32 $0x1, s1  }
0x4: {  	s4 =	sshll.u32 s0, $0x6;
	s1 =	rddreg [dreg:$0x2];
	s5 =	sshll.u32 s6, $0x5  }
0x5: {  	s7 =	simm.s32 $0x1;
	[smem:$0x7FF] =	sst s2;
	s9 =	sor.u32 s5, s4  }
0x6: {  	_ =	strace $0x80000047;
	s10 =	ssub.s32 $0x2, s6;
	s4 =	sshrl.u32 s9, $0x3  }
0x7: {  	s6 =	simm.s32 $0x20;
	s4 =	sadd.s32 s3, s4;
	s3 =	simm.s32 $0x2  }
0x8: {  	[tilespmem:s2], [sflag:$0x2] =	stream.linear.gather [hbm4b:s4+s2], $0x20, $0x38;
	[tilespmem:$0x820] =	vst v63  }
0x9: {  	s5 =	sadd.s32 $0x187200, s8;
	s11 =	sshrl.u32 s10, $0x1;
	_ =	swait.ge [sflag:s3], $0x20  }
0xa: {  	s9 =	sshll.u32 s9, $0x3;
	s31 =	ssub.s32 s10, s11;
	[sflag:s3] =	ssyncset.done $0x0  }
0xb: {  	s8 =	sadd.s32 s9, s8;
	s9 =	smax.u32 s31, $0x1;
	[sflag:s3] =	ssyncadd.s32 $0xFFFFFFE0  }
0xc: {  	[tilespmem:s6], [sflag:$0x1] =	stream.indirect.gather [hbm4b:s5+s6], $0x40, s2, s6, $0xb8;
	[tilespmem:$0x820] =	vst v63  }
0xd: {  	p0 =	sne.s32 s9, $0x1;
	_ =	swait.ge [sflag:s7], $0x800  }
.Ltmp0:
0xe: {  	[sflag:s7] =	ssyncset.done $0x0;
	(pc) =	sbr.rel @!p0 .LBB2_2-.Ltmp0, $4  }
0xf: {  	s8 =	sadd.s32 $0x24A800, s8;
	[sflag:s7] =	ssyncadd.s32 $0xFFFFF800  }
0x10: {  	[hbm4b:s8+s2] =	stream.linear.scatter [tilespmem:s6], [sflag:$0x2], $0x800, $0x38;
	[tilespmem:$0x820] =	vst v63  }
0x11: {  	_ =	swait.ge [sflag:s3], $0x800  }
0x12: {  	s9 =	sadd.s32 $0xFFFFFFFF, s9;
	[sflag:s3] =	ssyncset.done $0x0  }
.LBB2_1:
0x13: {  	p0 =	sne.s32 s9, $0x1;
	s9 =	sadd.s32 $0xFFFFFFFF, s9;
	[sflag:s3] =	ssyncadd.s32 $0xFFFFF800  }
0x14: {  	[tilespmem:s2], [sflag:$0x2] =	stream.linear.gather [hbm4b:s4+s2], $0x20, $0x38;
	[tilespmem:$0x820] =	vst v63  }
0x15: {  	_ =	swait.ge [sflag:s3], $0x20  }
0x16: {  	[sflag:s3] =	ssyncset.done $0x0  }
0x17: {  	[sflag:s3] =	ssyncadd.s32 $0xFFFFFFE0  }
0x18: {  	[tilespmem:s6], [sflag:$0x1] =	stream.indirect.gather [hbm4b:s5+s6], $0x40, s2, s6, $0xb8;
	[tilespmem:$0x820] =	vst v63  }
0x19: {  	_ =	swait.ge [sflag:s7], $0x800  }
.Ltmp1:
0x1a: {  	[sflag:s7] =	ssyncset.done $0x0;
	(pc) =	sbr.rel @p0 .LBB2_1-.Ltmp1, $4  }
0x1b: {  	[sflag:s7] =	ssyncadd.s32 $0xFFFFF800  }
0x1c: {  	[hbm4b:s8+s2] =	stream.linear.scatter [tilespmem:s6], [sflag:$0x2], $0x800, $0x38;
	[tilespmem:$0x820] =	vst v63  }
0x1d: {  	_ =	swait.ge [sflag:s3], $0x800  }
0x1e: {  	[sflag:s3] =	ssyncset.done $0x0  }
.LBB2_2:
0x1f: {  	[sflag:s3] =	ssyncadd.s32 $0xFFFFF800  }
0x20: {  	_ =	sfence.sel $0x180000  }
0x21: {  	[bflag:$0x0] =	sbarrier.arrive $0xFFFF  }
0x22: {  	p0 =	sne.s32 s0, $0x0;
	_ =	strace $0x90000047  }
0x23: {  	s0 =	sadd.s32 @!p0 $0x100000, s1;
	[bflag:$0x2] =	sbarrier.arrive $0xFFFF  }
0x24: {  	[sflag:s0] =	ssyncadd.tile.s32 @!p0 $0x1;
	_ =	shalt  }
.Lfunc_end2:
_tile_overlayer_lowered:
.L_overlay_start_2:
0x25: {  	(tag) =	ssettag $0x2  }
0x26: {  	s0 =	rddreg [dreg:$0x0];
	s2 =	stileid.u32  }
0x27: {  	s1 =	rddreg [dreg:$0x1];
	p0 =	sne.s32 s2, $0x0  }
0x28: {  	s3 =	rddreg [dreg:$0x2];
	[bflag:$0x3] =	sbarrier.arrive $0xFFFF;
	s2 =	simm.s32 @!p0 $0x1C02  }
0x29: {  	[timem:s3], [sflag:s2] =	dma.local @!p0 [hbm:s0], s1  }
0x2a: {  	s0 =	simm.s32 @!p0 $0x2  }
0x2b: {  	_ =	swait.ge @!p0 [sflag:s0], s1  }
0x2c: {  	s1 =	ssub.s32 @!p0 $0x0, s1;
	[sflag:s0] =	ssyncset.done @!p0 $0x0  }
0x2d: {  	[sflag:s0] =	ssyncadd.s32 @!p0 s1  }
0x2e: {  	[bflag:$0x3] =	sbarrier.arrive $0xFFFF  }
0x2f: {  	_ =	shalt  }

</sc_bundles>
